<compile_context>
chip_gen: v7x
topology: tpu7x:2x2x1
jax: 0.10.2.dev20260603
libtpu: 0.0.44.dev20260713+nightly
codegen_flags: <defaults>
</compile_context>

<pallas_src>
import functools

import jax
import jax.numpy as jnp
from jax import lax
from jax.experimental import pallas as pl
from jax.experimental.pallas import tpu as pltpu
from jax.experimental.pallas import tpu_sc as plsc


def _sc_gather(xf, B, stride):
    info = plsc.get_sparse_core_info()
    NC, NS, L = info.num_cores, info.num_subcores, info.num_lanes
    NW = NC * NS
    nb = B // NW
    mesh = plsc.VectorSubcoreMesh(core_axis_name="c", subcore_axis_name="s")

    @functools.partial(
        pl.kernel,
        mesh=mesh,
        out_type=(
            jax.ShapeDtypeStruct((B,), jnp.float32),
            jax.ShapeDtypeStruct((NW, L), jnp.float32),
            jax.ShapeDtypeStruct((NW, L), jnp.float32),
        ),
        scratch_types=[
            pltpu.VMEM((nb,), jnp.int32),
            pltpu.VMEM((nb,), jnp.float32),
            pltpu.VMEM((nb,), jnp.float32),
            pltpu.VMEM((L,), jnp.float32),
            pltpu.VMEM((L,), jnp.float32),
            pltpu.SemaphoreType.DMA,
        ],
    )
    def k(x_hbm, v_hbm, pe_hbm, po_hbm, idx_v, flat_v, vbuf, ebuf, obuf, sem):
        wid = lax.axis_index("s") * NC + lax.axis_index("c")
        base = wid * nb
        lane = jnp.arange(L, dtype=jnp.int32)
        for kk in range(nb // L):
            idx_v[pl.ds(kk * L, L)] = (base + kk * L + lane) * stride
        pltpu.async_copy(x_hbm.at[idx_v], flat_v, sem).wait()
        acc_odd = jnp.zeros((L,), jnp.int32)
        acc_even = jnp.zeros((L,), jnp.int32)
        for kk in range(nb // L):
            step = flat_v[pl.ds(kk * L, L)]
            vbuf[pl.ds(kk * L, L)] = 100.0 - step
            par = jnp.bitwise_and(step.astype(jnp.int32), 1)
            acc_odd = jnp.maximum(acc_odd, par)
            acc_even = jnp.maximum(acc_even, 1 - par)
        ebuf[...] = acc_even.astype(jnp.float32)
        obuf[...] = acc_odd.astype(jnp.float32)
        pltpu.sync_copy(vbuf, v_hbm.at[pl.ds(base, nb)])
        pltpu.sync_copy(ebuf, pe_hbm.at[wid])
        pltpu.sync_copy(obuf, po_hbm.at[wid])

    return k(xf)


def _tc_finalize(pe, po, B):
    def body(pe_ref, po_ref, p_ref):
        any_even = jnp.max(pe_ref[...]) > 0.5
        any_odd = jnp.max(po_ref[...]) > 0.5
        c0 = jnp.where(any_even, 0.8, 0.2)
        c1 = jnp.where(any_odd, 0.8, 0.2)
        col = lax.broadcasted_iota(jnp.int32, (B, 2), 1)
        p_ref[...] = jnp.where(col == 0, c0, c1)

    return pl.pallas_call(
        body,
        out_shape=jax.ShapeDtypeStruct((B, 2), jnp.float32),
    )(pe, po)


def kernel(x):
    B = x.shape[0]
    stride = x.shape[1] * x.shape[2] * x.shape[3]
    v1d, pe, po = _sc_gather(x.reshape(-1), B, stride)
    P = _tc_finalize(pe, po, B)
    return (P, v1d[:, None])

# --- scband reference (transcript-rebuilt; emitter-appended) ---
"""Pipeline reference for scband-oracle-f-19988777796119 (READ-ONLY COPY).

The authoritative reference and input builder live on the scoring server;
editing this copy changes nothing except your own understanding.
"""

import jax, jax.numpy as jnp
import numpy as np


def setup_inputs(seed: int = 0) -> dict:
    key = jax.random.key(seed)
    x = jax.random.randint(key, (4096, 4, 84, 84), 0, 100).astype(jnp.float32)
    return {"x": x}


def reference(x):
    step = x[:, 0, 0, 0]
    v = 100.0 - step
    best_action = (step % 2).astype(jnp.int32)
    B = x.shape[0]
    P = jnp.ones((B, 2), dtype=jnp.float32) * 0.2
    # Faithful to torch advanced indexing: P[:, best_action] = 0.8 sets
    # P[i, best_action[j]] = 0.8 for all i, j (scatter-overwrite on columns).
    P = P.at[:, best_action].set(0.8)
    return (P, v[:, None])

if __name__ == "__main__":
    import jax
    _d = setup_inputs()
    print(jax.jit(kernel)(*tuple(_d.values())))

</pallas_src>

<mosaic_0001>
#map = affine_map<(d0, d1) -> (0)>
#map1 = affine_map<(d0, d1) -> (0, 0)>
module attributes {stable_mosaic.version = 14 : i64} {
  func.func @k(%arg0: i32, %arg1: i32, %arg2: memref<115605504xf32, #tpu.memory_space<hbm>>, %arg3: memref<4096xf32, #tpu.memory_space<hbm>>, %arg4: memref<32x16xf32, #tpu.memory_space<hbm>>, %arg5: memref<32x16xf32, #tpu.memory_space<hbm>>, %arg6: memref<128xi32, #tpu.memory_space<vmem>>, %arg7: memref<128xf32, #tpu.memory_space<vmem>>, %arg8: memref<128xf32, #tpu.memory_space<vmem>>, %arg9: memref<16xf32, #tpu.memory_space<vmem>>, %arg10: memref<16xf32, #tpu.memory_space<vmem>>, %arg11: memref<!tpu.dma_semaphore, #tpu.memory_space<semaphore_mem>>) attributes {dimension_semantics = [#tpu.dimension_semantics<core_parallel>, #tpu.dimension_semantics<subcore_parallel>], iteration_bounds = array<i64: 2, 16>, scalar_prefetch = 0 : i64, scratch_operands = 6 : i64, tpu.core_type = #tpu.core_type<sc_vector_subcore>, window_params = [{transform_indices = #map}, {transform_indices = #map}, {transform_indices = #map1}, {transform_indices = #map1}]} {
    %mul3A = arith.constant 2 : i32
    %mul3A_0 = arith.muli %arg1, %mul3A : i32
    %add3A = arith.addi %mul3A_0, %arg0 : i32
    %mul3A_1 = arith.constant 128 : i32
    %mul3A_2 = arith.muli %add3A, %mul3A_1 : i32
    %iota3A = tpu.iota {dimensions = array<i32: 0>} : vector<16xi32>
    %add3A_3 = arith.constant 0 : i32
    %add3A_4 = arith.addi %mul3A_2, %add3A_3 : i32
    %add3A_5 = vector.broadcast %add3A_4 : i32 to vector<16xi32>
    %add3A_6 = arith.addi %add3A_5, %iota3A : vector<16xi32>
    %mul3A_7 = arith.constant 28224 : i32
    %mul3A_8 = vector.broadcast %mul3A_7 : i32 to vector<16xi32>
    %mul3A_9 = arith.muli %add3A_6, %mul3A_8 : vector<16xi32>
    %swap3A = arith.constant 0 : index
    %swap3A_10 = tpu.vector_load %arg6[%swap3A] {strides = array<i32>} : memref<128xi32, #tpu.memory_space<vmem>>, vector<16xi32>,
    %swap3A_11 = vector.shape_cast %swap3A_10 : vector<16xi32> to vector<16xi32>
    %swap3A_12 = vector.shape_cast %mul3A_9 : vector<16xi32> to vector<16xi32>
    tpu.vector_store %arg6[%swap3A], %swap3A_12 {strides = array<i32>} : memref<128xi32, #tpu.memory_space<vmem>>, vector<16xi32>,
    %add3A_13 = arith.constant 16 : i32
    %add3A_14 = arith.addi %mul3A_2, %add3A_13 : i32
    %add3A_15 = vector.broadcast %add3A_14 : i32 to vector<16xi32>
    %add3A_16 = arith.addi %add3A_15, %iota3A : vector<16xi32>
    %mul3A_17 = arith.constant 28224 : i32
    %mul3A_18 = vector.broadcast %mul3A_17 : i32 to vector<16xi32>
    %mul3A_19 = arith.muli %add3A_16, %mul3A_18 : vector<16xi32>
    %swap3A_20 = arith.constant 16 : index
    %swap3A_21 = tpu.vector_load %arg6[%swap3A_20] {strides = array<i32>} : memref<128xi32, #tpu.memory_space<vmem>>, vector<16xi32>,
    %swap3A_22 = vector.shape_cast %swap3A_21 : vector<16xi32> to vector<16xi32>
    %swap3A_23 = vector.shape_cast %mul3A_19 : vector<16xi32> to vector<16xi32>
    tpu.vector_store %arg6[%swap3A_20], %swap3A_23 {strides = array<i32>} : memref<128xi32, #tpu.memory_space<vmem>>, vector<16xi32>,
    %add3A_24 = arith.constant 32 : i32
    %add3A_25 = arith.addi %mul3A_2, %add3A_24 : i32
    %add3A_26 = vector.broadcast %add3A_25 : i32 to vector<16xi32>
    %add3A_27 = arith.addi %add3A_26, %iota3A : vector<16xi32>
    %mul3A_28 = arith.constant 28224 : i32
    %mul3A_29 = vector.broadcast %mul3A_28 : i32 to vector<16xi32>
    %mul3A_30 = arith.muli %add3A_27, %mul3A_29 : vector<16xi32>
    %swap3A_31 = arith.constant 32 : index
    %swap3A_32 = tpu.vector_load %arg6[%swap3A_31] {strides = array<i32>} : memref<128xi32, #tpu.memory_space<vmem>>, vector<16xi32>,
    %swap3A_33 = vector.shape_cast %swap3A_32 : vector<16xi32> to vector<16xi32>
    %swap3A_34 = vector.shape_cast %mul3A_30 : vector<16xi32> to vector<16xi32>
    tpu.vector_store %arg6[%swap3A_31], %swap3A_34 {strides = array<i32>} : memref<128xi32, #tpu.memory_space<vmem>>, vector<16xi32>,
    %add3A_35 = arith.constant 48 : i32
    %add3A_36 = arith.addi %mul3A_2, %add3A_35 : i32
    %add3A_37 = vector.broadcast %add3A_36 : i32 to vector<16xi32>
    %add3A_38 = arith.addi %add3A_37, %iota3A : vector<16xi32>
    %mul3A_39 = arith.constant 28224 : i32
    %mul3A_40 = vector.broadcast %mul3A_39 : i32 to vector<16xi32>
    %mul3A_41 = arith.muli %add3A_38, %mul3A_40 : vector<16xi32>
    %swap3A_42 = arith.constant 48 : index
    %swap3A_43 = tpu.vector_load %arg6[%swap3A_42] {strides = array<i32>} : memref<128xi32, #tpu.memory_space<vmem>>, vector<16xi32>,
    %swap3A_44 = vector.shape_cast %swap3A_43 : vector<16xi32> to vector<16xi32>
    %swap3A_45 = vector.shape_cast %mul3A_41 : vector<16xi32> to vector<16xi32>
    tpu.vector_store %arg6[%swap3A_42], %swap3A_45 {strides = array<i32>} : memref<128xi32, #tpu.memory_space<vmem>>, vector<16xi32>,
    %add3A_46 = arith.constant 64 : i32
    %add3A_47 = arith.addi %mul3A_2, %add3A_46 : i32
    %add3A_48 = vector.broadcast %add3A_47 : i32 to vector<16xi32>
    %add3A_49 = arith.addi %add3A_48, %iota3A : vector<16xi32>
    %mul3A_50 = arith.constant 28224 : i32
    %mul3A_51 = vector.broadcast %mul3A_50 : i32 to vector<16xi32>
    %mul3A_52 = arith.muli %add3A_49, %mul3A_51 : vector<16xi32>
    %swap3A_53 = arith.constant 64 : index
    %swap3A_54 = tpu.vector_load %arg6[%swap3A_53] {strides = array<i32>} : memref<128xi32, #tpu.memory_space<vmem>>, vector<16xi32>,
    %swap3A_55 = vector.shape_cast %swap3A_54 : vector<16xi32> to vector<16xi32>
    %swap3A_56 = vector.shape_cast %mul3A_52 : vector<16xi32> to vector<16xi32>
    tpu.vector_store %arg6[%swap3A_53], %swap3A_56 {strides = array<i32>} : memref<128xi32, #tpu.memory_space<vmem>>, vector<16xi32>,
    %add3A_57 = arith.constant 80 : i32
    %add3A_58 = arith.addi %mul3A_2, %add3A_57 : i32
    %add3A_59 = vector.broadcast %add3A_58 : i32 to vector<16xi32>
    %add3A_60 = arith.addi %add3A_59, %iota3A : vector<16xi32>
    %mul3A_61 = arith.constant 28224 : i32
    %mul3A_62 = vector.broadcast %mul3A_61 : i32 to vector<16xi32>
    %mul3A_63 = arith.muli %add3A_60, %mul3A_62 : vector<16xi32>
    %swap3A_64 = arith.constant 80 : index
    %swap3A_65 = tpu.vector_load %arg6[%swap3A_64] {strides = array<i32>} : memref<128xi32, #tpu.memory_space<vmem>>, vector<16xi32>,
    %swap3A_66 = vector.shape_cast %swap3A_65 : vector<16xi32> to vector<16xi32>
    %swap3A_67 = vector.shape_cast %mul3A_63 : vector<16xi32> to vector<16xi32>
    tpu.vector_store %arg6[%swap3A_64], %swap3A_67 {strides = array<i32>} : memref<128xi32, #tpu.memory_space<vmem>>, vector<16xi32>,
    %add3A_68 = arith.constant 96 : i32
    %add3A_69 = arith.addi %mul3A_2, %add3A_68 : i32
    %add3A_70 = vector.broadcast %add3A_69 : i32 to vector<16xi32>
    %add3A_71 = arith.addi %add3A_70, %iota3A : vector<16xi32>
    %mul3A_72 = arith.constant 28224 : i32
    %mul3A_73 = vector.broadcast %mul3A_72 : i32 to vector<16xi32>
    %mul3A_74 = arith.muli %add3A_71, %mul3A_73 : vector<16xi32>
    %swap3A_75 = arith.constant 96 : index
    %swap3A_76 = tpu.vector_load %arg6[%swap3A_75] {strides = array<i32>} : memref<128xi32, #tpu.memory_space<vmem>>, vector<16xi32>,
    %swap3A_77 = vector.shape_cast %swap3A_76 : vector<16xi32> to vector<16xi32>
    %swap3A_78 = vector.shape_cast %mul3A_74 : vector<16xi32> to vector<16xi32>
    tpu.vector_store %arg6[%swap3A_75], %swap3A_78 {strides = array<i32>} : memref<128xi32, #tpu.memory_space<vmem>>, vector<16xi32>,
    %add3A_79 = arith.constant 112 : i32
    %add3A_80 = arith.addi %mul3A_2, %add3A_79 : i32
    %add3A_81 = vector.broadcast %add3A_80 : i32 to vector<16xi32>
    %add3A_82 = arith.addi %add3A_81, %iota3A : vector<16xi32>
    %mul3A_83 = arith.constant 28224 : i32
    %mul3A_84 = vector.broadcast %mul3A_83 : i32 to vector<16xi32>
    %mul3A_85 = arith.muli %add3A_82, %mul3A_84 : vector<16xi32>
    %swap3A_86 = arith.constant 112 : index
    %swap3A_87 = tpu.vector_load %arg6[%swap3A_86] {strides = array<i32>} : memref<128xi32, #tpu.memory_space<vmem>>, vector<16xi32>,
    %swap3A_88 = vector.shape_cast %swap3A_87 : vector<16xi32> to vector<16xi32>
    %swap3A_89 = vector.shape_cast %mul3A_85 : vector<16xi32> to vector<16xi32>
    tpu.vector_store %arg6[%swap3A_86], %swap3A_89 {strides = array<i32>} : memref<128xi32, #tpu.memory_space<vmem>>, vector<16xi32>,
    %dma_start3A = arith.constant 0 : i32
    %dma_start3A_90 = tpu.memref_slice %arg2[%dma_start3A] : memref<115605504xf32, #tpu.memory_space<hbm>> -> memref<115605504xf32, #tpu.memory_space<hbm>>
    tpu.enqueue_indirect_dma source(%dma_start3A_90 : memref<115605504xf32, #tpu.memory_space<hbm>>) target(%arg7 : memref<128xf32, #tpu.memory_space<vmem>>) offsets(%arg6 : memref<128xi32, #tpu.memory_space<vmem>>) semaphore(%arg11 : memref<!tpu.dma_semaphore, #tpu.memory_space<semaphore_mem>>)
    %dma_wait3A = arith.constant 0 : i32
    %dma_wait3A_91 = tpu.memref_slice %arg2[%dma_wait3A] : memref<115605504xf32, #tpu.memory_space<hbm>> -> memref<115605504xf32, #tpu.memory_space<hbm>>
    tpu.wait_indirect_dma semaphore(%arg11 : memref<!tpu.dma_semaphore, #tpu.memory_space<semaphore_mem>>) src(%dma_wait3A_91 : memref<115605504xf32, #tpu.memory_space<hbm>>) dst(%arg7 : memref<128xf32, #tpu.memory_space<vmem>>)
    %broadcast_in_dim3A = arith.constant 0 : i32
    %broadcast_in_dim3A_92 = vector.broadcast %broadcast_in_dim3A : i32 to vector<16xi32>
    %broadcast_in_dim3A_93 = arith.constant 0 : i32
    %broadcast_in_dim3A_94 = vector.broadcast %broadcast_in_dim3A_93 : i32 to vector<16xi32>
    %get3A = arith.constant 0 : index
    %get3A_95 = tpu.vector_load %arg7[%get3A] {strides = array<i32>} : memref<128xf32, #tpu.memory_space<vmem>>, vector<16xf32>,
    %get3A_96 = vector.shape_cast %get3A_95 : vector<16xf32> to vector<16xf32>
    %sub3A = arith.constant 1.000000e+02 : f32
    %sub3A_97 = vector.broadcast %sub3A : f32 to vector<16xf32>
    %sub3A_98 = arith.subf %sub3A_97, %get3A_96 : vector<16xf32>
    %swap3A_99 = arith.constant 0 : index
    %swap3A_100 = tpu.vector_load %arg8[%swap3A_99] {strides = array<i32>} : memref<128xf32, #tpu.memory_space<vmem>>, vector<16xf32>,
    %swap3A_101 = vector.shape_cast %swap3A_100 : vector<16xf32> to vector<16xf32>
    %swap3A_102 = vector.shape_cast %sub3A_98 : vector<16xf32> to vector<16xf32>
    tpu.vector_store %arg8[%swap3A_99], %swap3A_102 {strides = array<i32>} : memref<128xf32, #tpu.memory_space<vmem>>, vector<16xf32>,
    %convert_element_type3A = arith.fptosi %get3A_96 : vector<16xf32> to vector<16xi32>
    %and3A = arith.constant 1 : i32
    %and3A_103 = vector.broadcast %and3A : i32 to vector<16xi32>
    %and3A_104 = arith.andi %convert_element_type3A, %and3A_103 : vector<16xi32>
    %max3A = arith.maxsi %broadcast_in_dim3A_92, %and3A_104 : vector<16xi32>
    %sub3A_105 = arith.constant 1 : i32
    %sub3A_106 = vector.broadcast %sub3A_105 : i32 to vector<16xi32>
    %sub3A_107 = arith.subi %sub3A_106, %and3A_104 : vector<16xi32>
    %max3A_108 = arith.maxsi %broadcast_in_dim3A_94, %sub3A_107 : vector<16xi32>
    %get3A_109 = arith.constant 16 : index
    %get3A_110 = tpu.vector_load %arg7[%get3A_109] {strides = array<i32>} : memref<128xf32, #tpu.memory_space<vmem>>, vector<16xf32>,
    %get3A_111 = vector.shape_cast %get3A_110 : vector<16xf32> to vector<16xf32>
    %sub3A_112 = arith.constant 1.000000e+02 : f32
    %sub3A_113 = vector.broadcast %sub3A_112 : f32 to vector<16xf32>
    %sub3A_114 = arith.subf %sub3A_113, %get3A_111 : vector<16xf32>
    %swap3A_115 = arith.constant 16 : index
    %swap3A_116 = tpu.vector_load %arg8[%swap3A_115] {strides = array<i32>} : memref<128xf32, #tpu.memory_space<vmem>>, vector<16xf32>,
    %swap3A_117 = vector.shape_cast %swap3A_116 : vector<16xf32> to vector<16xf32>
    %swap3A_118 = vector.shape_cast %sub3A_114 : vector<16xf32> to vector<16xf32>
    tpu.vector_store %arg8[%swap3A_115], %swap3A_118 {strides = array<i32>} : memref<128xf32, #tpu.memory_space<vmem>>, vector<16xf32>,
    %convert_element_type3A_119 = arith.fptosi %get3A_111 : vector<16xf32> to vector<16xi32>
    %and3A_120 = arith.constant 1 : i32
    %and3A_121 = vector.broadcast %and3A_120 : i32 to vector<16xi32>
    %and3A_122 = arith.andi %convert_element_type3A_119, %and3A_121 : vector<16xi32>
    %max3A_123 = arith.maxsi %max3A, %and3A_122 : vector<16xi32>
    %sub3A_124 = arith.constant 1 : i32
    %sub3A_125 = vector.broadcast %sub3A_124 : i32 to vector<16xi32>
    %sub3A_126 = arith.subi %sub3A_125, %and3A_122 : vector<16xi32>
    %max3A_127 = arith.maxsi %max3A_108, %sub3A_126 : vector<16xi32>
    %get3A_128 = arith.constant 32 : index
    %get3A_129 = tpu.vector_load %arg7[%get3A_128] {strides = array<i32>} : memref<128xf32, #tpu.memory_space<vmem>>, vector<16xf32>,
    %get3A_130 = vector.shape_cast %get3A_129 : vector<16xf32> to vector<16xf32>
    %sub3A_131 = arith.constant 1.000000e+02 : f32
    %sub3A_132 = vector.broadcast %sub3A_131 : f32 to vector<16xf32>
    %sub3A_133 = arith.subf %sub3A_132, %get3A_130 : vector<16xf32>
    %swap3A_134 = arith.constant 32 : index
    %swap3A_135 = tpu.vector_load %arg8[%swap3A_134] {strides = array<i32>} : memref<128xf32, #tpu.memory_space<vmem>>, vector<16xf32>,
    %swap3A_136 = vector.shape_cast %swap3A_135 : vector<16xf32> to vector<16xf32>
    %swap3A_137 = vector.shape_cast %sub3A_133 : vector<16xf32> to vector<16xf32>
    tpu.vector_store %arg8[%swap3A_134], %swap3A_137 {strides = array<i32>} : memref<128xf32, #tpu.memory_space<vmem>>, vector<16xf32>,
    %convert_element_type3A_138 = arith.fptosi %get3A_130 : vector<16xf32> to vector<16xi32>
    %and3A_139 = arith.constant 1 : i32
    %and3A_140 = vector.broadcast %and3A_139 : i32 to vector<16xi32>
    %and3A_141 = arith.andi %convert_element_type3A_138, %and3A_140 : vector<16xi32>
    %max3A_142 = arith.maxsi %max3A_123, %and3A_141 : vector<16xi32>
    %sub3A_143 = arith.constant 1 : i32
    %sub3A_144 = vector.broadcast %sub3A_143 : i32 to vector<16xi32>
    %sub3A_145 = arith.subi %sub3A_144, %and3A_141 : vector<16xi32>
    %max3A_146 = arith.maxsi %max3A_127, %sub3A_145 : vector<16xi32>
    %get3A_147 = arith.constant 48 : index
    %get3A_148 = tpu.vector_load %arg7[%get3A_147] {strides = array<i32>} : memref<128xf32, #tpu.memory_space<vmem>>, vector<16xf32>,
    %get3A_149 = vector.shape_cast %get3A_148 : vector<16xf32> to vector<16xf32>
    %sub3A_150 = arith.constant 1.000000e+02 : f32
    %sub3A_151 = vector.broadcast %sub3A_150 : f32 to vector<16xf32>
    %sub3A_152 = arith.subf %sub3A_151, %get3A_149 : vector<16xf32>
    %swap3A_153 = arith.constant 48 : index
    %swap3A_154 = tpu.vector_load %arg8[%swap3A_153] {strides = array<i32>} : memref<128xf32, #tpu.memory_space<vmem>>, vector<16xf32>,
    %swap3A_155 = vector.shape_cast %swap3A_154 : vector<16xf32> to vector<16xf32>
    %swap3A_156 = vector.shape_cast %sub3A_152 : vector<16xf32> to vector<16xf32>
    tpu.vector_store %arg8[%swap3A_153], %swap3A_156 {strides = array<i32>} : memref<128xf32, #tpu.memory_space<vmem>>, vector<16xf32>,
    %convert_element_type3A_157 = arith.fptosi %get3A_149 : vector<16xf32> to vector<16xi32>
    %and3A_158 = arith.constant 1 : i32
    %and3A_159 = vector.broadcast %and3A_158 : i32 to vector<16xi32>
    %and3A_160 = arith.andi %convert_element_type3A_157, %and3A_159 : vector<16xi32>
    %max3A_161 = arith.maxsi %max3A_142, %and3A_160 : vector<16xi32>
    %sub3A_162 = arith.constant 1 : i32
    %sub3A_163 = vector.broadcast %sub3A_162 : i32 to vector<16xi32>
    %sub3A_164 = arith.subi %sub3A_163, %and3A_160 : vector<16xi32>
    %max3A_165 = arith.maxsi %max3A_146, %sub3A_164 : vector<16xi32>
    %get3A_166 = arith.constant 64 : index
    %get3A_167 = tpu.vector_load %arg7[%get3A_166] {strides = array<i32>} : memref<128xf32, #tpu.memory_space<vmem>>, vector<16xf32>,
    %get3A_168 = vector.shape_cast %get3A_167 : vector<16xf32> to vector<16xf32>
    %sub3A_169 = arith.constant 1.000000e+02 : f32
    %sub3A_170 = vector.broadcast %sub3A_169 : f32 to vector<16xf32>
    %sub3A_171 = arith.subf %sub3A_170, %get3A_168 : vector<16xf32>
    %swap3A_172 = arith.constant 64 : index
    %swap3A_173 = tpu.vector_load %arg8[%swap3A_172] {strides = array<i32>} : memref<128xf32, #tpu.memory_space<vmem>>, vector<16xf32>,
    %swap3A_174 = vector.shape_cast %swap3A_173 : vector<16xf32> to vector<16xf32>
    %swap3A_175 = vector.shape_cast %sub3A_171 : vector<16xf32> to vector<16xf32>
    tpu.vector_store %arg8[%swap3A_172], %swap3A_175 {strides = array<i32>} : memref<128xf32, #tpu.memory_space<vmem>>, vector<16xf32>,
    %convert_element_type3A_176 = arith.fptosi %get3A_168 : vector<16xf32> to vector<16xi32>
    %and3A_177 = arith.constant 1 : i32
    %and3A_178 = vector.broadcast %and3A_177 : i32 to vector<16xi32>
    %and3A_179 = arith.andi %convert_element_type3A_176, %and3A_178 : vector<16xi32>
    %max3A_180 = arith.maxsi %max3A_161, %and3A_179 : vector<16xi32>
    %sub3A_181 = arith.constant 1 : i32
    %sub3A_182 = vector.broadcast %sub3A_181 : i32 to vector<16xi32>
    %sub3A_183 = arith.subi %sub3A_182, %and3A_179 : vector<16xi32>
    %max3A_184 = arith.maxsi %max3A_165, %sub3A_183 : vector<16xi32>
    %get3A_185 = arith.constant 80 : index
    %get3A_186 = tpu.vector_load %arg7[%get3A_185] {strides = array<i32>} : memref<128xf32, #tpu.memory_space<vmem>>, vector<16xf32>,
    %get3A_187 = vector.shape_cast %get3A_186 : vector<16xf32> to vector<16xf32>
    %sub3A_188 = arith.constant 1.000000e+02 : f32
    %sub3A_189 = vector.broadcast %sub3A_188 : f32 to vector<16xf32>
    %sub3A_190 = arith.subf %sub3A_189, %get3A_187 : vector<16xf32>
    %swap3A_191 = arith.constant 80 : index
    %swap3A_192 = tpu.vector_load %arg8[%swap3A_191] {strides = array<i32>} : memref<128xf32, #tpu.memory_space<vmem>>, vector<16xf32>,
    %swap3A_193 = vector.shape_cast %swap3A_192 : vector<16xf32> to vector<16xf32>
    %swap3A_194 = vector.shape_cast %sub3A_190 : vector<16xf32> to vector<16xf32>
    tpu.vector_store %arg8[%swap3A_191], %swap3A_194 {strides = array<i32>} : memref<128xf32, #tpu.memory_space<vmem>>, vector<16xf32>,
    %convert_element_type3A_195 = arith.fptosi %get3A_187 : vector<16xf32> to vector<16xi32>
    %and3A_196 = arith.constant 1 : i32
    %and3A_197 = vector.broadcast %and3A_196 : i32 to vector<16xi32>
    %and3A_198 = arith.andi %convert_element_type3A_195, %and3A_197 : vector<16xi32>
    %max3A_199 = arith.maxsi %max3A_180, %and3A_198 : vector<16xi32>
    %sub3A_200 = arith.constant 1 : i32
    %sub3A_201 = vector.broadcast %sub3A_200 : i32 to vector<16xi32>
    %sub3A_202 = arith.subi %sub3A_201, %and3A_198 : vector<16xi32>
    %max3A_203 = arith.maxsi %max3A_184, %sub3A_202 : vector<16xi32>
    %get3A_204 = arith.constant 96 : index
    %get3A_205 = tpu.vector_load %arg7[%get3A_204] {strides = array<i32>} : memref<128xf32, #tpu.memory_space<vmem>>, vector<16xf32>,
    %get3A_206 = vector.shape_cast %get3A_205 : vector<16xf32> to vector<16xf32>
    %sub3A_207 = arith.constant 1.000000e+02 : f32
    %sub3A_208 = vector.broadcast %sub3A_207 : f32 to vector<16xf32>
    %sub3A_209 = arith.subf %sub3A_208, %get3A_206 : vector<16xf32>
    %swap3A_210 = arith.constant 96 : index
    %swap3A_211 = tpu.vector_load %arg8[%swap3A_210] {strides = array<i32>} : memref<128xf32, #tpu.memory_space<vmem>>, vector<16xf32>,
    %swap3A_212 = vector.shape_cast %swap3A_211 : vector<16xf32> to vector<16xf32>
    %swap3A_213 = vector.shape_cast %sub3A_209 : vector<16xf32> to vector<16xf32>
    tpu.vector_store %arg8[%swap3A_210], %swap3A_213 {strides = array<i32>} : memref<128xf32, #tpu.memory_space<vmem>>, vector<16xf32>,
    %convert_element_type3A_214 = arith.fptosi %get3A_206 : vector<16xf32> to vector<16xi32>
    %and3A_215 = arith.constant 1 : i32
    %and3A_216 = vector.broadcast %and3A_215 : i32 to vector<16xi32>
    %and3A_217 = arith.andi %convert_element_type3A_214, %and3A_216 : vector<16xi32>
    %max3A_218 = arith.maxsi %max3A_199, %and3A_217 : vector<16xi32>
    %sub3A_219 = arith.constant 1 : i32
    %sub3A_220 = vector.broadcast %sub3A_219 : i32 to vector<16xi32>
    %sub3A_221 = arith.subi %sub3A_220, %and3A_217 : vector<16xi32>
    %max3A_222 = arith.maxsi %max3A_203, %sub3A_221 : vector<16xi32>
    %get3A_223 = arith.constant 112 : index
    %get3A_224 = tpu.vector_load %arg7[%get3A_223] {strides = array<i32>} : memref<128xf32, #tpu.memory_space<vmem>>, vector<16xf32>,
    %get3A_225 = vector.shape_cast %get3A_224 : vector<16xf32> to vector<16xf32>
    %sub3A_226 = arith.constant 1.000000e+02 : f32
    %sub3A_227 = vector.broadcast %sub3A_226 : f32 to vector<16xf32>
    %sub3A_228 = arith.subf %sub3A_227, %get3A_225 : vector<16xf32>
    %swap3A_229 = arith.constant 112 : index
    %swap3A_230 = tpu.vector_load %arg8[%swap3A_229] {strides = array<i32>} : memref<128xf32, #tpu.memory_space<vmem>>, vector<16xf32>,
    %swap3A_231 = vector.shape_cast %swap3A_230 : vector<16xf32> to vector<16xf32>
    %swap3A_232 = vector.shape_cast %sub3A_228 : vector<16xf32> to vector<16xf32>
    tpu.vector_store %arg8[%swap3A_229], %swap3A_232 {strides = array<i32>} : memref<128xf32, #tpu.memory_space<vmem>>, vector<16xf32>,
    %convert_element_type3A_233 = arith.fptosi %get3A_225 : vector<16xf32> to vector<16xi32>
    %and3A_234 = arith.constant 1 : i32
    %and3A_235 = vector.broadcast %and3A_234 : i32 to vector<16xi32>
    %and3A_236 = arith.andi %convert_element_type3A_233, %and3A_235 : vector<16xi32>
    %max3A_237 = arith.maxsi %max3A_218, %and3A_236 : vector<16xi32>
    %sub3A_238 = arith.constant 1 : i32
    %sub3A_239 = vector.broadcast %sub3A_238 : i32 to vector<16xi32>
    %sub3A_240 = arith.subi %sub3A_239, %and3A_236 : vector<16xi32>
    %max3A_241 = arith.maxsi %max3A_222, %sub3A_240 : vector<16xi32>
    %convert_element_type3A_242 = arith.sitofp %max3A_241 : vector<16xi32> to vector<16xf32>
    %swap3A_243 = arith.constant 0 : index
    %swap3A_244 = tpu.vector_load %arg9[%swap3A_243] {strides = array<i32>} : memref<16xf32, #tpu.memory_space<vmem>>, vector<16xf32>,
    %swap3A_245 = vector.shape_cast %swap3A_244 : vector<16xf32> to vector<16xf32>
    %swap3A_246 = vector.shape_cast %convert_element_type3A_242 : vector<16xf32> to vector<16xf32>
    tpu.vector_store %arg9[%swap3A_243], %swap3A_246 {strides = array<i32>} : memref<16xf32, #tpu.memory_space<vmem>>, vector<16xf32>,
    %convert_element_type3A_247 = arith.sitofp %max3A_237 : vector<16xi32> to vector<16xf32>
    %swap3A_248 = arith.constant 0 : index
    %swap3A_249 = tpu.vector_load %arg10[%swap3A_248] {strides = array<i32>} : memref<16xf32, #tpu.memory_space<vmem>>, vector<16xf32>,
    %swap3A_250 = vector.shape_cast %swap3A_249 : vector<16xf32> to vector<16xf32>
    %swap3A_251 = vector.shape_cast %convert_element_type3A_247 : vector<16xf32> to vector<16xf32>
    tpu.vector_store %arg10[%swap3A_248], %swap3A_251 {strides = array<i32>} : memref<16xf32, #tpu.memory_space<vmem>>, vector<16xf32>,
    "tpu.region"() ({
      %run_scoped3A = tpu.sem_alloc : memref<!tpu.dma_semaphore, #tpu.memory_space<semaphore_mem>>
      %dma_start3A_252 = tpu.memref_slice %arg3[%mul3A_2] : memref<4096xf32, #tpu.memory_space<hbm>> -> memref<128xf32, #tpu.memory_space<hbm>>
      %dma_start3A_253 = tpu.memref_slice %arg3[%mul3A_2] : memref<4096xf32, #tpu.memory_space<hbm>> -> memref<128xf32, #tpu.memory_space<hbm>>
      tpu.enqueue_dma source(%arg8 : memref<128xf32, #tpu.memory_space<vmem>>) target(%dma_start3A_253 : memref<128xf32, #tpu.memory_space<hbm>>) target_semaphore(%run_scoped3A : memref<!tpu.dma_semaphore, #tpu.memory_space<semaphore_mem>>)
      %dma_wait3A_254 = tpu.memref_slice %arg3[%mul3A_2] : memref<4096xf32, #tpu.memory_space<hbm>> -> memref<128xf32, #tpu.memory_space<hbm>>
      %dma_wait3A_255 = tpu.memref_slice %arg3[%mul3A_2] : memref<4096xf32, #tpu.memory_space<hbm>> -> memref<128xf32, #tpu.memory_space<hbm>>
      tpu.wait_dma2 semaphore(%run_scoped3A : memref<!tpu.dma_semaphore, #tpu.memory_space<semaphore_mem>>) src(%arg8 : memref<128xf32, #tpu.memory_space<vmem>>) dst(%dma_wait3A_255 : memref<128xf32, #tpu.memory_space<hbm>>)
      tpu.yield
    }) : () -> ()
    "tpu.region"() ({
      %run_scoped3A = tpu.sem_alloc : memref<!tpu.dma_semaphore, #tpu.memory_space<semaphore_mem>>
      %dma_start3A_252 = arith.constant 0 : i32
      %dma_start3A_253 = tpu.memref_slice %arg4[%add3A, %dma_start3A_252] : memref<32x16xf32, #tpu.memory_space<hbm>> -> memref<1x16xf32, #tpu.memory_space<hbm>>
      %dma_start3A_254 = tpu.memref_squeeze %dma_start3A_253 : memref<1x16xf32, #tpu.memory_space<hbm>> -> memref<16xf32, #tpu.memory_space<hbm>>
      %dma_start3A_255 = arith.constant 0 : i32
      %dma_start3A_256 = tpu.memref_slice %arg4[%add3A, %dma_start3A_255] : memref<32x16xf32, #tpu.memory_space<hbm>> -> memref<1x16xf32, #tpu.memory_space<hbm>>
      %dma_start3A_257 = tpu.memref_squeeze %dma_start3A_256 : memref<1x16xf32, #tpu.memory_space<hbm>> -> memref<16xf32, #tpu.memory_space<hbm>>
      tpu.enqueue_dma source(%arg9 : memref<16xf32, #tpu.memory_space<vmem>>) target(%dma_start3A_257 : memref<16xf32, #tpu.memory_space<hbm>>) target_semaphore(%run_scoped3A : memref<!tpu.dma_semaphore, #tpu.memory_space<semaphore_mem>>)
      %dma_wait3A_258 = arith.constant 0 : i32
      %dma_wait3A_259 = tpu.memref_slice %arg4[%add3A, %dma_wait3A_258] : memref<32x16xf32, #tpu.memory_space<hbm>> -> memref<1x16xf32, #tpu.memory_space<hbm>>
      %dma_wait3A_260 = tpu.memref_squeeze %dma_wait3A_259 : memref<1x16xf32, #tpu.memory_space<hbm>> -> memref<16xf32, #tpu.memory_space<hbm>>
      %dma_wait3A_261 = arith.constant 0 : i32
      %dma_wait3A_262 = tpu.memref_slice %arg4[%add3A, %dma_wait3A_261] : memref<32x16xf32, #tpu.memory_space<hbm>> -> memref<1x16xf32, #tpu.memory_space<hbm>>
      %dma_wait3A_263 = tpu.memref_squeeze %dma_wait3A_262 : memref<1x16xf32, #tpu.memory_space<hbm>> -> memref<16xf32, #tpu.memory_space<hbm>>
      tpu.wait_dma2 semaphore(%run_scoped3A : memref<!tpu.dma_semaphore, #tpu.memory_space<semaphore_mem>>) src(%arg9 : memref<16xf32, #tpu.memory_space<vmem>>) dst(%dma_wait3A_263 : memref<16xf32, #tpu.memory_space<hbm>>)
      tpu.yield
    }) : () -> ()
    "tpu.region"() ({
      %run_scoped3A = tpu.sem_alloc : memref<!tpu.dma_semaphore, #tpu.memory_space<semaphore_mem>>
      %dma_start3A_252 = arith.constant 0 : i32
      %dma_start3A_253 = tpu.memref_slice %arg5[%add3A, %dma_start3A_252] : memref<32x16xf32, #tpu.memory_space<hbm>> -> memref<1x16xf32, #tpu.memory_space<hbm>>
      %dma_start3A_254 = tpu.memref_squeeze %dma_start3A_253 : memref<1x16xf32, #tpu.memory_space<hbm>> -> memref<16xf32, #tpu.memory_space<hbm>>
      %dma_start3A_255 = arith.constant 0 : i32
      %dma_start3A_256 = tpu.memref_slice %arg5[%add3A, %dma_start3A_255] : memref<32x16xf32, #tpu.memory_space<hbm>> -> memref<1x16xf32, #tpu.memory_space<hbm>>
      %dma_start3A_257 = tpu.memref_squeeze %dma_start3A_256 : memref<1x16xf32, #tpu.memory_space<hbm>> -> memref<16xf32, #tpu.memory_space<hbm>>
      tpu.enqueue_dma source(%arg10 : memref<16xf32, #tpu.memory_space<vmem>>) target(%dma_start3A_257 : memref<16xf32, #tpu.memory_space<hbm>>) target_semaphore(%run_scoped3A : memref<!tpu.dma_semaphore, #tpu.memory_space<semaphore_mem>>)
      %dma_wait3A_258 = arith.constant 0 : i32
      %dma_wait3A_259 = tpu.memref_slice %arg5[%add3A, %dma_wait3A_258] : memref<32x16xf32, #tpu.memory_space<hbm>> -> memref<1x16xf32, #tpu.memory_space<hbm>>
      %dma_wait3A_260 = tpu.memref_squeeze %dma_wait3A_259 : memref<1x16xf32, #tpu.memory_space<hbm>> -> memref<16xf32, #tpu.memory_space<hbm>>
      %dma_wait3A_261 = arith.constant 0 : i32
      %dma_wait3A_262 = tpu.memref_slice %arg5[%add3A, %dma_wait3A_261] : memref<32x16xf32, #tpu.memory_space<hbm>> -> memref<1x16xf32, #tpu.memory_space<hbm>>
      %dma_wait3A_263 = tpu.memref_squeeze %dma_wait3A_262 : memref<1x16xf32, #tpu.memory_space<hbm>> -> memref<16xf32, #tpu.memory_space<hbm>>
      tpu.wait_dma2 semaphore(%run_scoped3A : memref<!tpu.dma_semaphore, #tpu.memory_space<semaphore_mem>>) src(%arg10 : memref<16xf32, #tpu.memory_space<vmem>>) dst(%dma_wait3A_263 : memref<16xf32, #tpu.memory_space<hbm>>)
      tpu.yield
    }) : () -> ()
    return
  }
}

module attributes {stable_mosaic.version = 14 : i64} {
  func.func @body(%arg0: memref<32x16xf32, #tpu.memory_space<vmem>>, %arg1: memref<32x16xf32, #tpu.memory_space<vmem>>, %arg2: memref<4096x2xf32, #tpu.memory_space<vmem>>) attributes {dimension_semantics = [], scalar_prefetch = 0 : i64, scratch_operands = 0 : i64, tpu.core_type = #tpu.core_type<tc>} {
    %get3A = arith.constant 0 : index
    %get3A_0 = arith.constant 0 : index
    %get3A_1 = vector.load %arg0[%get3A, %get3A_0] : memref<32x16xf32, #tpu.memory_space<vmem>>, vector<32x16xf32>
    %reduce_max3A = vector.shape_cast %get3A_1 : vector<32x16xf32> to vector<1x32x16xf32>
    %reduce_max3A_2 = arith.constant dense<0xFF800000> : vector<1xf32>
    %reduce_max3A_3 = vector.multi_reduction <maximumf>, %reduce_max3A, %reduce_max3A_2 [1, 2] : vector<1x32x16xf32> to vector<1xf32>
    %reduce_max3A_4 = vector.shape_cast %reduce_max3A_3 : vector<1xf32> to vector<1x1x1xf32>
    %reduce_max3A_5 = vector.extract %reduce_max3A_4[0, 0, 0] : f32 from vector<1x1x1xf32>
    %gt3A = arith.constant 5.000000e-01 : f32
    %gt3A_6 = arith.cmpf ogt, %reduce_max3A_5, %gt3A : f32
    %get3A_7 = arith.constant 0 : index
    %get3A_8 = arith.constant 0 : index
    %get3A_9 = vector.load %arg1[%get3A_7, %get3A_8] : memref<32x16xf32, #tpu.memory_space<vmem>>, vector<32x16xf32>
    %reduce_max3A_10 = vector.shape_cast %get3A_9 : vector<32x16xf32> to vector<1x32x16xf32>
    %reduce_max3A_11 = arith.constant dense<0xFF800000> : vector<1xf32>
    %reduce_max3A_12 = vector.multi_reduction <maximumf>, %reduce_max3A_10, %reduce_max3A_11 [1, 2] : vector<1x32x16xf32> to vector<1xf32>
    %reduce_max3A_13 = vector.shape_cast %reduce_max3A_12 : vector<1xf32> to vector<1x1x1xf32>
    %reduce_max3A_14 = vector.extract %reduce_max3A_13[0, 0, 0] : f32 from vector<1x1x1xf32>
    %gt3A_15 = arith.constant 5.000000e-01 : f32
    %gt3A_16 = arith.cmpf ogt, %reduce_max3A_14, %gt3A_15 : f32
    %jit3A = arith.constant 8.000000e-01 : f32
    %jit3A_17 = arith.constant 2.000000e-01 : f32
    %select_n3A = arith.select %gt3A_6, %jit3A, %jit3A_17 : f32
    %jit3A_18 = arith.constant 8.000000e-01 : f32
    %jit3A_19 = arith.constant 2.000000e-01 : f32
    %select_n3A_20 = arith.select %gt3A_16, %jit3A_18, %jit3A_19 : f32
    %iota3A = tpu.iota {dimensions = array<i32: 1>} : vector<4096x2xi32>
    %eq3A = arith.constant 0 : i32
    %eq3A_21 = vector.broadcast %eq3A : i32 to vector<4096x2xi32>
    %eq3A_22 = arith.cmpi eq, %iota3A, %eq3A_21 : vector<4096x2xi32>
    %broadcast_in_dim3A = vector.broadcast %select_n3A : f32 to vector<4096x2xf32>
    %broadcast_in_dim3A_23 = vector.broadcast %select_n3A_20 : f32 to vector<4096x2xf32>
    %select_n3A_24 = arith.select %eq3A_22, %broadcast_in_dim3A, %broadcast_in_dim3A_23 : vector<4096x2xi1>, vector<4096x2xf32>
    %swap3A = arith.constant 0 : index
    %swap3A_25 = arith.constant 0 : index
    %swap3A_26 = vector.load %arg2[%swap3A, %swap3A_25] : memref<4096x2xf32, #tpu.memory_space<vmem>>, vector<4096x2xf32>
    tpu.vector_store %arg2[%swap3A, %swap3A_25], %select_n3A_24 {strides = array<i32>} : memref<4096x2xf32, #tpu.memory_space<vmem>>, vector<4096x2xf32>,
    return
  }
}

</mosaic_0001>

<sc_bundles>
// kernel: kernel.4.cloned.1.call-start
scs
__scs_entry_jumppad:
0x0: {  	(pc) =	sbr.rel $0x88, $3  }
0x1: {  	(tag) =	ssettag $0x0;
	lr =	simm.s32 $0x1  }
0x2: {  	[smem:$0x3FA0] =	sst lr;
	_ =	strace $0xD0000000  }
0x3: {  	_ = 	snop  }
0x4: {  	_ = 	snop  }
0x5: {  	_ = 	snop  }
0x6: {  	_ = 	snop  }
0x7: {  	_ = 	snop  }
__scs_overlays_trampoline_lowered:
0x8: {  	[smem:$0x3FAF] =	sst s0  }
0x9: {  	[smem:$0x3FB0] =	sst s1  }
0xa: {  	[smem:$0x3FB1] =	sst s2  }
0xb: {  	[smem:$0x3FB2] =	sst s3  }
0xc: {  	[smem:$0x3FB3] =	sst s4  }
0xd: {  	[smem:$0x3FB4] =	sst s5  }
0xe: {  	[smem:$0x3FB5] =	sst s6  }
0xf: {  	[smem:$0x3FB6] =	sst s7  }
0x10: {  	[smem:$0x3FB7] =	sst s8  }
0x11: {  	[smem:$0x3FB8] =	sst s9;
	s0 =	simm.s32 @!p0 $0x0  }
0x12: {  	s1 =	sld [smem:$0x3F9E];
	s0 =	simm.s32 @p0 $0x1  }
0x13: {  	[smem:$0x3FB9] =	sst s0;
	s0 =	simm.s32 @!p1 $0x0  }
0x14: {  	s2 =	sld [smem:$0x3F9D];
	s0 =	simm.s32 @p1 $0x1  }
0x15: {  	[smem:$0x3FBA] =	sst s0;
	s0 =	simm.s32 @!p2 $0x0  }
0x16: {  	s3 =	sld [smem:$0x3FDB];
	s0 =	simm.s32 @p2 $0x1  }
0x17: {  	s4 =	simm.s32 $0x1BF5;
	[smem:$0x3FBC] =	sst s0  }
0x18: {  	s0 =	sld [smem:$0x3F9F];
	_ =	swait.ge [sflag:s4], $0x0  }
0x19: {  	s7 =	sld [smem:$0x3FA0]  }
0x1a: {  	s8 =	sadd.s32 $0xFFFFE003, lr  }
0x1b: {  	s9 =	sadd.s32 $0xFFFFFEF7, lr;
	s5 =	simm.s32 $0xFFFFFFFF;
	p2 =	slt.u32 s8, $0xFFFFF086  }
0x1c: {  	p1 =	slt.u32 s9, $0xF7A;
	s5 =	simm.s32 @!p2 $0x0  }
0x1d: {  	s5 =	simm.s32 @p1 $0x1;
	p0 =	seq.s32 s7, s2  }
0x1e: {  	s7 =	smul.u32 @!p0 $0xF7A, s2;
	p2 =	seq.s32 @!p0 s5, $0x0  }
0x1f: {  	s9 =	smul.u32 $0xF7A, s1;
	s8 =	simm.s32 @!p0 $0x1BF5;
	p2 =	por !p2, p0  }
0x20: {  	[sflag:s8] =	ssyncset.s32 @!p0 $0xFFFFF086;
	s6 =	sadd.s32 @!p0 s3, s7;
	s7 =	simm.s32 @!p0 $0x108  }
0x21: {  	s3 =	sadd.s32 s3, s9;
	s6 =	sadd.s32 @!p0 $0x88, s6;
	s7 =	simm.s32 @p2 $0x1082  }
0x22: {  	[simem:s7], [sflag:s8] =	dma.local @!p0 [hbm:s6], $0xF7A  }
0x23: {  	s9 =	sor.u32 $0xD0000000, s2;
	s6 =	simm.s32 $0x108;
	_ =	swait.ge @!p0 [sflag:s8], $0x0  }
0x24: {  	s3 =	sadd.s32 $0x88, s3;
	s6 =	simm.s32 @!p1 $0x1082;
	[sflag:s4] =	ssyncset.s32 $0xFFFFF086  }
0x25: {  	[simem:s6], [sflag:s4] =	dma.local [hbm:s3], $0xF7A  }
0x26: {  	[smem:$0x3FA0] =	sst s1;
	(tag) =	ssettag s2;
	_ =	strace s9  }
0x27: {  	s1 =	sld [smem:$0x3FB0]  }
0x28: {  	s2 =	sld [smem:$0x3FB1]  }
0x29: {  	s4 =	sld [smem:$0x3FB3]  }
0x2a: {  	p0 =	seq.s32 s5, $0x0;
	s5 =	sld [smem:$0x3FB4]  }
0x2b: {  	s6 =	sld [smem:$0x3FB5]  }
0x2c: {  	s7 =	sld [smem:$0x3FB6]  }
0x2d: {  	s3 =	simm.s32 $0x108;
	s8 =	sld [smem:$0x3FB7]  }
0x2e: {  	s3 =	simm.s32 @!p0 $0x1082;
	s9 =	sld [smem:$0x3FB8]  }
0x2f: {  	lr =	sadd.s32 s0, s3;
	s0 =	sld [smem:$0x3FAF]  }
0x30: {  	s3 =	sld [smem:$0x3FB2]  }
0x31: {  	[smem:$0x3FBB] =	sst s10  }
0x32: {  	s10 =	sld [smem:$0x3FB9];
	_ =	sdelay $0x3  }
0x33: {  	p0 =	seq.s32 s10, $0x1;
	s10 =	sld [smem:$0x3FBB];
	_ =	sdelay $0x3  }
0x34: {  	[smem:$0x3FBB] =	sst s10  }
0x35: {  	s10 =	sld [smem:$0x3FBA];
	_ =	sdelay $0x3  }
0x36: {  	p1 =	seq.s32 s10, $0x1;
	s10 =	sld [smem:$0x3FBB];
	_ =	sdelay $0x3  }
0x37: {  	[smem:$0x3FBB] =	sst s10  }
0x38: {  	s10 =	sld [smem:$0x3FBC]  }
0x39: {  	_ = 	snop;
	(pc) =	sbr.ind lr, $3  }
0x3a: {  	_ = 	snop  }
0x3b: {  	_ = 	snop  }
0x3c: {  	p2 =	seq.s32 s10, $0x1;
	s10 =	sld [smem:$0x3FBB]  }
0x3d: {  	_ =	shalt  }
0x3e: {  	_ =	shalt  }
0x3f: {  	_ =	shalt  }
0x40: {  	_ =	shalt  }
0x41: {  	_ =	shalt  }
0x42: {  	_ =	shalt  }
0x43: {  	_ =	shalt  }
0x44: {  	_ =	shalt  }
0x45: {  	_ =	shalt  }
0x46: {  	_ =	shalt  }
0x47: {  	_ =	shalt  }
0x48: {  	_ =	shalt  }
0x49: {  	_ =	shalt  }
0x4a: {  	_ =	shalt  }
0x4b: {  	_ =	shalt  }
0x4c: {  	_ =	shalt  }
0x4d: {  	_ =	shalt  }
0x4e: {  	_ =	shalt  }
0x4f: {  	_ =	shalt  }
0x50: {  	_ =	shalt  }
0x51: {  	_ =	shalt  }
0x52: {  	_ =	shalt  }
0x53: {  	_ =	shalt  }
0x54: {  	_ =	shalt  }
0x55: {  	_ =	shalt  }
0x56: {  	_ =	shalt  }
0x57: {  	_ =	shalt  }
0x58: {  	_ =	shalt  }
0x59: {  	_ =	shalt  }
0x5a: {  	_ =	shalt  }
0x5b: {  	_ =	shalt  }
0x5c: {  	_ =	shalt  }
0x5d: {  	_ =	shalt  }
0x5e: {  	_ =	shalt  }
0x5f: {  	_ =	shalt  }
0x60: {  	_ =	shalt  }
0x61: {  	_ =	shalt  }
0x62: {  	_ =	shalt  }
0x63: {  	_ =	shalt  }
0x64: {  	_ =	shalt  }
0x65: {  	_ =	shalt  }
0x66: {  	_ =	shalt  }
0x67: {  	_ =	shalt  }
0x68: {  	_ =	shalt  }
0x69: {  	_ =	shalt  }
0x6a: {  	_ =	shalt  }
0x6b: {  	_ =	shalt  }
0x6c: {  	_ =	shalt  }
0x6d: {  	_ =	shalt  }
0x6e: {  	_ =	shalt  }
0x6f: {  	_ =	shalt  }
0x70: {  	_ =	shalt  }
0x71: {  	_ =	shalt  }
0x72: {  	_ =	shalt  }
0x73: {  	_ =	shalt  }
0x74: {  	_ =	shalt  }
0x75: {  	_ =	shalt  }
0x76: {  	_ =	shalt  }
0x77: {  	_ =	shalt  }
0x78: {  	_ =	shalt  }
0x79: {  	_ =	shalt  }
0x7a: {  	_ =	shalt  }
0x7b: {  	_ =	shalt  }
0x7c: {  	_ =	shalt  }
0x7d: {  	_ =	shalt  }
0x7e: {  	_ =	shalt  }
0x7f: {  	_ =	shalt  }
0x80: {  	_ =	shalt  }
0x81: {  	_ =	shalt  }
0x82: {  	_ =	shalt  }
0x83: {  	_ =	shalt  }
0x84: {  	_ =	shalt  }
0x85: {  	_ =	shalt  }
0x86: {  	_ =	shalt  }
0x87: {  	_ =	shalt  }
.Lfunc_end0:
.L_simem_size_0:
called_computation_lowered:
.L_overlay_start_0:
0x88: {  	s2 =	sld [smem:$0x3FD9]  }
0x89: {  	s3 =	sld [smem:$0x3FFE];
	_ =	sdelay $0x1  }
0x8a: {  	s1 =	srdreg.scid  }
0x8b: {  	s0 =	sand.u32 $0x1, s1  }
0x8c: {  	s14 =	sshll.u32 s0, $0xA;
	s2 =	sadd.s32 s3, s2  }
0x8d: {  	s2 =	sadd.s32 s2, s14  }
0x8e: {  	[smem:$0x3FC7] =	sst s2  }
0x8f: {  	_ = 	snop  }
0x90: {  	s2 =	sld [smem:$0x3FD0];
	_ =	sdelay $0x2  }
0x91: {  	s15 =	simm.s32 $0xA;
	s4 =	simm.s32 $0x10  }
0x92: {  	[smem:s4], [sflag:s15] =	dma.local [hbm:s2], $0x1  }
0x93: {  	_ =	swait.eq [sflag:s15], $0x1  }
0x94: {  	[sflag:s15] =	ssyncset.done $0x0  }
0x95: {  	s16 =	sld [smem:$0x10];
	[sflag:s15] =	ssyncadd.s32 $0xFFFFFFFF  }
0x96: {  	s17 =	sld [smem:$0x11];
	(tm) =	ssettm $0x1  }
0x97: {  	s18 =	sld [smem:$0x3FFB];
	_ =	sdelay $0x3  }
0x98: {  	_ =	strace s18  }
0x99: {  	s4 =	sld [smem:$0x3FFC];
	_ =	sdelay $0x3  }
0x9a: {  	_ =	strace s4  }
0x9b: {  	s4 =	sld [smem:$0x3FFD];
	_ =	sdelay $0x3  }
0x9c: {  	_ =	strace s4  }
0x9d: {  	_ =	strace $0x8FFFFFFF  }
0x9e: {  	s19 =	sld [smem:$0x3FDB];
	_ =	sdelay $0x1  }
0x9f: {  	s5 =	simm.s32 $_scs_section_size  }
0xa0: {  	s6 =	simm.s32 $_size__tile_overlayer_lowered;
	s7 =	simm.s32 $_tile_overlayer_lowered  }
0xa1: {  	s22 =	simm.s32 $0x1BFF;
	s21 =	sshll.u32 s7, $0x1;
	s4 =	sadd.s32 s5, s19  }
0xa2: {  	s8 =	simm.s32 $0x0;
	s20 =	sshll.u32 s6, $0x1;
	s6 =	sadd.s32 s21, s4  }
0xa3: {  	[timem:s8], [sflag:s22] =	dma.local [hbm:s6], s20  }
0xa4: {  	_ =	swait.ge [sflag:s22], s20  }
0xa5: {  	s5 =	ssub.s32 $0x0, s20;
	[sflag:s22] =	ssyncset.done $0x0  }
0xa6: {  	[sflag:s22] =	ssyncadd.s32 s5;
	_ =	sdelay $0x1  }
0xa7: {  	s23 =	simm.s32 $0x1B8B  }
0xa8: {  	_ =	swait.ge [sflag:s23], $0x1  }
0xa9: {  	[sflag:s23] =	ssyncset.done $0x0  }
0xaa: {  	s25 =	simm.s32 $0x1B8E;
	s24 =	sld [smem:$0x3FFE];
	[sflag:s23] =	ssyncadd.s32 $0xFFFFFFFF  }
0xab: {  	s26 =	simm.s32 $execute0_lowered;
	[smem:$0x3FD2] =	sst s25  }
0xac: {  	s6 =	sshll.u32 s26, $0x1;
	_ =	strace $0x80000046;
	[dreg:$0x1] =	wrdreg $0xFFFFFFFF  }
0xad: {  	s28 =	simm.s32 $_size_execute0_lowered;
	s4 =	sadd.s32 s4, s6;
	[dreg:$0x0] =	wrdreg $0x0  }
0xae: {  	s6 =	sshll.u32 s28, $0x1;
	[dreg:$0x2] =	wrdreg s4  }
0xaf: {  	[dreg:$0x3] =	wrdreg s6  }
0xb0: {  	[dreg:$0x4] =	wrdreg $0xC0  }
0xb1: {  	_ =	task [dreg:s8], $0x5FFFF  }
0xb2: {  	[dreg:$0x1] =	wrdreg $0xFFFFFFFF  }
0xb3: {  	[dreg:$0x0] =	wrdreg $0x60  }
0xb4: {  	[dreg:$0x2] =	wrdreg s24  }
0xb5: {  	[dreg:$0x3] =	wrdreg s17  }
0xb6: {  	[dreg:$0x4] =	wrdreg s16  }
0xb7: {  	[dreg:$0x5] =	wrdreg $0x9  }
0xb8: {  	_ =	task.clear_ibuf [dreg:s8], $0x6FFFF;
	_ =	strace $0x90000046  }
0xb9: {  	s29 =	simm.s32 $0x9;
	_ =	strace $0x80000048  }
0xba: {  	_ =	swait.ge [sflag:s29], $0x1  }
0xbb: {  	[sflag:s29] =	ssyncadd.s32 $0xFFFFFFFF  }
0xbc: {  	_ =	strace $0x90000048  }
0xbd: {  	_ =	sfence  }
0xbe: {  	s30 =	sld [smem:$0x0];
	_ =	sdelay $0x2  }
0xbf: {  	s31 =	sshll.u32 s1, $0xD;
	s1 =	sshrl.u32 s1, $0x2  }
0xc0: {  	s3 =	sand.u32 $0x4000, s31;
	s1 =	sadd.s32 s1, s30  }
0xc1: {  	s0 =	sor.u32 s3, s0;
	s1 =	sshll.u32 s1, $0x11  }
0xc2: {  	s0 =	sor.u32 s1, s0  }
0xc3: {  	s0 =	sadd.s32 $0x8F2B, s0  }
0xc4: {  	[sflag:s0] =	ssyncadd.remote.s32 $0x1  }
0xc5: {  	_ =	sfence.sel $0xFFFF  }
0xc6: {  	[dreg:$0x0] =	wrdreg $0xFFFFFFFF;
	(pc) =	sbr.abs _section_cstart, $3  }
0xc7: {  	[dreg:$0x1] =	wrdreg $0xFFFFFFFF  }
0xc8: {  	_ =	task.clear_ibuf [dreg:s8], $0x2FFFF;
	_ =	strace $0x9FFFFFFF  }
0xc9: {  	(tm) =	ssettm $0x7FFFFFFF  }
tec
execute0_lowered:
.L_overlay_start_1:
0x0: {  	(tag) =	ssettag $0x1  }
0x1: {  	s1 =	srdreg.scid;
	s0 =	stileid.u32  }
0x2: {  	s3 =	sand.u32 $0x1, s1;
	s24 =	sshll.u32 s0, $0x1  }
0x3: {  	s4 =	sor.u32 s3, s24  }
0x4: {  	s5 =	sshll.u32 s4, $0x7  }
0x5: {  	v1 =	vlaneseq.u32;
	v0 =	vmov s5;
	s25 =	sor.u32 $0x40, s5  }
0x6: {  	v7 =	vmul.u32 $0x6E40, v1;
	s26 =	sor.u32 $0x50, s5;
	s9 =	sor.u32 $0x70, s5;
	s10 =	sor.u32 $0x20, s5;
	v0 =	vmul.u32 $0x6E40, v0  }
0x7: {  	s28 =	sor.u32 $0x60, s5;
	s29 =	sor.u32 $0x30, s5;
	s5 =	sor.u32 $0x10, s5;
	v2 =	vmov s26;
	v3 =	vmov s9;
	v5 =	vmov s10  }
0x8: {  	s6 =	rddreg [dreg:$0x0];
	v6 =	vmov s29;
	v8 =	vmov s5;
	v1 =	vmul.u32 $0x6E40, v2  }
0x9: {  	s7 =	rddreg [dreg:$0x1];
	v2 =	vmov s28;
	v3 =	vmul.u32 $0x6E40, v3;
	v4 =	vbroadcast v0, $0x0  }
0xa: {  	s8 =	rddreg [dreg:$0x2];
	s2 =	simm.s32 $0x0;
	v6 =	vmul.u32 $0x6E40, v6;
	v5 =	vmul.u32 $0x6E40, v5;
	v1 =	vbroadcast v1, $0x0  }
0xb: {  	[smem:$0x7FF] =	sst s2;
	v0 =	vmov s25;
	v3 =	vbroadcast v3, $0x0;
	v4 =	vadd.s32 v7, v4  }
0xc: {  	s1 =	rddreg [dreg:$0x3];
	_ =	strace $0x80000047;
	v2 =	vmul.u32 $0x6E40, v2;
	v6 =	vbroadcast v6, $0x0;
	v1 =	vadd.s32 v7, v1;
	[tilespmem:$0x0] =	vst v4  }
0xd: {  	v0 =	vmul.u32 $0x6E40, v0;
	v9 =	vbroadcast v5, $0x0;
	v3 =	vadd.s32 v7, v3;
	[tilespmem:$0x50] =	vst v1  }
0xe: {  	v8 =	vmul.u32 $0x6E40, v8;
	v2 =	vbroadcast v2, $0x0;
	v5 =	vadd.s32 v7, v6;
	[tilespmem:$0x70] =	vst v3  }
0xf: {  	v0 =	vbroadcast v0, $0x0;
	v6 =	vadd.s32 v7, v9;
	[tilespmem:$0x30] =	vst v5  }
0x10: {  	s3 =	ssub.s32 $0x2, s3;
	v8 =	vbroadcast v8, $0x0;
	v2 =	vadd.s32 v7, v2;
	[tilespmem:$0x20] =	vst v6  }
0x11: {  	s31 =	sshrl.u32 s3, $0x1;
	v0 =	vadd.s32 v7, v0;
	[tilespmem:$0x60] =	vst v2  }
0x12: {  	s11 =	simm.s32 $0x80;
	s13 =	ssub.s32 s3, s31;
	v7 =	vadd.s32 v7, v8;
	[tilespmem:$0x40] =	vst v0  }
0x13: {  	s12 =	simm.s32 $0x1;
	s10 =	sadd.s32 $0x1600C00, s6;
	s13 =	smax.u32 s13, $0x1;
	[tilespmem:$0x10] =	vst v7  }
0x14: {  	[tilespmem:s11], [sflag:$0x1] =	stream.indirect.gather [hbm4b:s10+s11], $0x1, s2, s11, $0xb8;
	[tilespmem:$0x280] =	vst v63  }
0x15: {  	p0 =	sne.s32 s13, $0x1;
	_ =	swait.ge [sflag:s12], $0x80  }
.Ltmp0:
0x16: {  	[sflag:s12] =	ssyncset.done $0x0;
	(pc) =	sbr.rel @!p0 .LBB2_2-.Ltmp0, $4  }
0x17: {  	s4 =	sshll.u32 s4, $0x4;
	[sflag:s12] =	ssyncadd.s32 $0xFFFFFF80  }
0x18: {  	s30 =	sadd.s32 s4, s6;
	s6 =	sadd.s32 s7, s4;
	s5 =	sadd.s32 s8, s4;
	v8 =	vld [tilespmem:$0xD0]  }
0x19: {  	s3 =	sadd.s32 $0xC00, s30;
	s8 =	simm.s32 $0x100;
	s4 =	simm.s32 $0x2;
	v9 =	vld [tilespmem:$0xA0]  }
0x1a: {  	s9 =	simm.s32 $0x180;
	s7 =	simm.s32 $0x200;
	s13 =	sadd.s32 $0xFFFFFFFF, s13;
	v10 =	vld [tilespmem:$0x90]  }
.LBB2_1:
0x1b: {  	p0 =	sne.s32 s13, $0x1;
	s13 =	sadd.s32 $0xFFFFFFFF, s13;
	v11 =	vld [tilespmem:$0x80]  }
0x1c: {  	v12 =	vld [tilespmem:$0xB0]  }
0x1d: {  	v13 =	vsub.f32 $1.000000000e+02, v8;
	v14 =	vld [tilespmem:$0xE0]  }
0x1e: {  	v15 =	vsub.f32 $1.000000000e+02, v9;
	v16 =	vld [tilespmem:$0xF0]  }
0x1f: {  	v9 =	vtrunc.f32 v9;
	v17 =	vsub.f32 $1.000000000e+02, v10;
	v10 =	vtrunc.f32 v10;
	v18 =	vld [tilespmem:$0xC0];
	[tilespmem:$0x150] =	vst v13  }
0x20: {  	v9 =	vcvt.f32.s32 v9;
	v13 =	vsub.f32 $1.000000000e+02, v11;
	v11 =	vtrunc.f32 v11;
	[tilespmem:$0x120] =	vst v15  }
0x21: {  	v8 =	vtrunc.f32 v8;
	v11 =	vcvt.f32.s32 v11;
	[tilespmem:$0x110] =	vst v17;
	v15 =	vsub.f32 $1.000000000e+02, v12  }
0x22: {  	v10 =	vcvt.f32.s32 v10;
	v9 =	vand.u32 $0x1, v9;
	v12 =	vtrunc.f32 v12;
	[tilespmem:$0x100] =	vst v13  }
0x23: {  	v8 =	vcvt.f32.s32 v8;
	v13 =	vxor.u32 $0x1, v9;
	v11 =	vand.u32 $0x1, v11;
	[tilespmem:$0x130] =	vst v15  }
0x24: {  	v10 =	vand.u32 $0x1, v10;
	v15 =	vxor.u32 $0x1, v11;
	v17 =	vtrunc.f32 v18  }
0x25: {  	v8 =	vand.u32 $0x1, v8;
	v19 =	vxor.u32 $0x1, v10;
	v17 =	vcvt.f32.s32 v17  }
0x26: {  	v12 =	vcvt.f32.s32 v12;
	v15 =	vmax.u32 v15, v19;
	v19 =	vxor.u32 $0x1, v8  }
0x27: {  	v10 =	vmax.u32 v11, v10;
	v11 =	vand.u32 $0x1, v17;
	v17 =	vtrunc.f32 v16  }
0x28: {  	v20 =	vtrunc.f32 v14;
	v12 =	vand.u32 $0x1, v12;
	v17 =	vcvt.f32.s32 v17  }
0x29: {  	v9 =	vmax.u32 v10, v9;
	v10 =	vxor.u32 $0x1, v12;
	v21 =	vxor.u32 $0x1, v11  }
0x2a: {  	v13 =	vmax.u32 v15, v13;
	v9 =	vmax.u32 v9, v12;
	v12 =	vcvt.f32.s32 v20  }
0x2b: {  	v10 =	vmax.u32 v13, v10;
	v13 =	vsub.f32 $1.000000000e+02, v18;
	v9 =	vmax.u32 v9, v11  }
0x2c: {  	v10 =	vmax.u32 v10, v21;
	v8 =	vmax.u32 v9, v8;
	v9 =	vand.u32 $0x1, v12  }
0x2d: {  	v10 =	vmax.u32 v10, v19;
	v8 =	vmax.u32 v8, v9;
	v9 =	vxor.u32 $0x1, v9;
	[tilespmem:$0x140] =	vst v13  }
0x2e: {  	v11 =	vand.u32 $0x1, v17;
	v9 =	vmax.u32 v10, v9;
	v10 =	vsub.f32 $1.000000000e+02, v16  }
0x2f: {  	v12 =	vsub.f32 $1.000000000e+02, v14;
	v8 =	vmax.u32 v8, v11;
	v11 =	vxor.u32 $0x1, v11  }
0x30: {  	v9 =	vmax.u32 v9, v11;
	v8 =	vcvt.s32.f32 v8;
	[tilespmem:$0x170] =	vst v10  }
0x31: {  	v9 =	vcvt.s32.f32 v9;
	[tilespmem:$0x160] =	vst v12  }
0x32: {  	[tilespmem:$0x200] =	vst v8  }
0x33: {  	[tilespmem:$0x180] =	vst v9  }
0x34: {  	[hbm4b:s6+s2] =	stream.linear.scatter [tilespmem:s8], [sflag:$0x2], $0x80, $0x38;
	[tilespmem:$0x280] =	vst v63  }
0x35: {  	_ =	swait.ge [sflag:s4], $0x80  }
0x36: {  	[sflag:s4] =	ssyncset.done $0x0  }
0x37: {  	[sflag:s4] =	ssyncadd.s32 $0xFFFFFF80  }
0x38: {  	[hbm4b:s5+s2] =	stream.linear.scatter [tilespmem:s9], [sflag:$0x2], $0x80, $0x38;
	[tilespmem:$0x280] =	vst v63  }
0x39: {  	_ =	swait.ge [sflag:s4], $0x80  }
0x3a: {  	[sflag:s4] =	ssyncset.done $0x0  }
0x3b: {  	[sflag:s4] =	ssyncadd.s32 $0xFFFFFF80  }
0x3c: {  	[hbm4b:s3+s2] =	stream.linear.scatter [tilespmem:s7], [sflag:$0x2], $0x80, $0x38;
	[tilespmem:$0x280] =	vst v63  }
0x3d: {  	_ =	swait.ge [sflag:s4], $0x80  }
0x3e: {  	[sflag:s4] =	ssyncset.done $0x0  }
0x3f: {  	[sflag:s4] =	ssyncadd.s32 $0xFFFFFF80  }
0x40: {  	[tilespmem:$0x40] =	vst v0  }
0x41: {  	[tilespmem:$0x50] =	vst v1  }
0x42: {  	[tilespmem:$0x60] =	vst v2  }
0x43: {  	[tilespmem:$0x70] =	vst v3  }
0x44: {  	[tilespmem:$0x0] =	vst v4  }
0x45: {  	[tilespmem:$0x30] =	vst v5  }
0x46: {  	[tilespmem:$0x20] =	vst v6  }
0x47: {  	[tilespmem:$0x10] =	vst v7  }
0x48: {  	[tilespmem:s11], [sflag:$0x1] =	stream.indirect.gather [hbm4b:s10+s11], $0x1, s2, s11, $0xb8;
	[tilespmem:$0x280] =	vst v63  }
0x49: {  	_ =	swait.ge [sflag:s12], $0x80  }
.Ltmp1:
0x4a: {  	[sflag:s12] =	ssyncset.done $0x0;
	(pc) =	sbr.rel @p0 .LBB2_1-.Ltmp1, $4  }
0x4b: {  	[sflag:s12] =	ssyncadd.s32 $0xFFFFFF80  }
0x4c: {  	v8 =	vld [tilespmem:$0xD0]  }
0x4d: {  	v9 =	vld [tilespmem:$0xA0]  }
0x4e: {  	v10 =	vld [tilespmem:$0x90]  }
.LBB2_2:
0x4f: {  	v0 =	vld [tilespmem:$0x80]  }
0x50: {  	v1 =	vld [tilespmem:$0xB0]  }
0x51: {  	v47 =	vld [tilespmem:$0xC0]  }
0x52: {  	v14 =	vld [tilespmem:$0xF0];
	v2 =	vsub.f32 $1.000000000e+02, v8;
	v49 =	vtrunc.f32 v8  }
0x53: {  	v11 =	vld [tilespmem:$0xE0];
	v4 =	vsub.f32 $1.000000000e+02, v9;
	v5 =	vtrunc.f32 v9;
	v8 =	vcvt.f32.s32 v49  }
0x54: {  	v3 =	vtrunc.f32 v10;
	v7 =	vsub.f32 $1.000000000e+02, v10;
	v5 =	vcvt.f32.s32 v5  }
0x55: {  	v6 =	vtrunc.f32 v0;
	v3 =	vcvt.f32.s32 v3;
	v0 =	vsub.f32 $1.000000000e+02, v0  }
0x56: {  	v48 =	vsub.f32 $1.000000000e+02, v1;
	v1 =	vtrunc.f32 v1;
	v50 =	vtrunc.f32 v47  }
0x57: {  	v8 =	vand.u32 $0x1, v8;
	v54 =	vtrunc.f32 v14;
	v9 =	vsub.f32 $1.000000000e+02, v47  }
0x58: {  	v55 =	vtrunc.f32 v11;
	v62 =	vsub.f32 $1.000000000e+02, v14;
	v63 =	vsub.f32 $1.000000000e+02, v11  }
0x59: {  	v6 =	vcvt.f32.s32 v6;
	v5 =	vand.u32 $0x1, v5;
	v1 =	vcvt.f32.s32 v1  }
0x5a: {  	v52 =	vxor.u32 $0x1, v8;
	v3 =	vand.u32 $0x1, v3;
	v51 =	vxor.u32 $0x1, v5  }
0x5b: {  	v6 =	vand.u32 $0x1, v6;
	v13 =	vxor.u32 $0x1, v3;
	v1 =	vand.u32 $0x1, v1  }
0x5c: {  	v12 =	vxor.u32 $0x1, v6;
	v3 =	vmax.u32 v6, v3;
	v53 =	vxor.u32 $0x1, v1  }
0x5d: {  	v12 =	vmax.u32 v12, v13;
	v13 =	vcvt.f32.s32 v50;
	v3 =	vmax.u32 v3, v5  }
0x5e: {  	[tilespmem:$0x150] =	vst v2;
	v6 =	vmax.u32 v12, v51;
	v1 =	vmax.u32 v3, v1;
	v12 =	vcvt.f32.s32 v55  }
0x5f: {  	[tilespmem:$0x120] =	vst v4;
	v3 =	vcvt.f32.s32 v54;
	v6 =	vmax.u32 v6, v53;
	v56 =	vand.u32 $0x1, v13  }
0x60: {  	[tilespmem:$0x110] =	vst v7;
	v57 =	vxor.u32 $0x1, v56;
	v1 =	vmax.u32 v1, v56;
	v59 =	vand.u32 $0x1, v12  }
0x61: {  	[tilespmem:$0x100] =	vst v0;
	v3 =	vand.u32 $0x1, v3;
	v58 =	vmax.u32 v6, v57;
	v1 =	vmax.u32 v1, v8  }
0x62: {  	[tilespmem:$0x130] =	vst v48;
	v61 =	vxor.u32 $0x1, v59;
	v60 =	vmax.u32 v58, v52;
	v1 =	vmax.u32 v1, v59  }
0x63: {  	[tilespmem:$0x140] =	vst v9;
	v0 =	vmax.u32 v60, v61;
	v1 =	vmax.u32 v1, v3;
	v3 =	vxor.u32 $0x1, v3  }
0x64: {  	[tilespmem:$0x170] =	vst v62;
	v0 =	vmax.u32 v0, v3;
	v1 =	vcvt.s32.f32 v1  }
0x65: {  	[tilespmem:$0x160] =	vst v63;
	v0 =	vcvt.s32.f32 v0  }
0x66: {  	[tilespmem:$0x200] =	vst v1  }
0x67: {  	[tilespmem:$0x180] =	vst v0  }
0x68: {  	[hbm4b:s6+s2] =	stream.linear.scatter [tilespmem:s8], [sflag:$0x2], $0x80, $0x38;
	[tilespmem:$0x280] =	vst v63  }
0x69: {  	_ =	swait.ge [sflag:s4], $0x80  }
0x6a: {  	[sflag:s4] =	ssyncset.done $0x0  }
0x6b: {  	[sflag:s4] =	ssyncadd.s32 $0xFFFFFF80  }
0x6c: {  	[hbm4b:s5+s2] =	stream.linear.scatter [tilespmem:s9], [sflag:$0x2], $0x80, $0x38;
	[tilespmem:$0x280] =	vst v63  }
0x6d: {  	_ =	swait.ge [sflag:s4], $0x80  }
0x6e: {  	[sflag:s4] =	ssyncset.done $0x0  }
0x6f: {  	[sflag:s4] =	ssyncadd.s32 $0xFFFFFF80  }
0x70: {  	[hbm4b:s3+s2] =	stream.linear.scatter [tilespmem:s7], [sflag:$0x2], $0x80, $0x38;
	[tilespmem:$0x280] =	vst v63  }
0x71: {  	_ =	swait.ge [sflag:s4], $0x80  }
0x72: {  	[sflag:s4] =	ssyncset.done $0x0  }
0x73: {  	[sflag:s4] =	ssyncadd.s32 $0xFFFFFF80  }
0x74: {  	_ =	sfence.sel $0x180000  }
0x75: {  	[bflag:$0x0] =	sbarrier.arrive $0xFFFF  }
0x76: {  	p0 =	sne.s32 s0, $0x0;
	_ =	strace $0x90000047  }
0x77: {  	s0 =	sadd.s32 @!p0 $0x100000, s1;
	[bflag:$0x2] =	sbarrier.arrive $0xFFFF  }
0x78: {  	[sflag:s0] =	ssyncadd.tile.s32 @!p0 $0x1;
	_ =	shalt  }
.Lfunc_end2:
_tile_overlayer_lowered:
.L_overlay_start_2:
0x79: {  	(tag) =	ssettag $0x2  }
0x7a: {  	s0 =	rddreg [dreg:$0x0];
	s2 =	stileid.u32  }
0x7b: {  	s1 =	rddreg [dreg:$0x1];
	p0 =	sne.s32 s2, $0x0  }
0x7c: {  	s3 =	rddreg [dreg:$0x2];
	[bflag:$0x3] =	sbarrier.arrive $0xFFFF;
	s2 =	simm.s32 @!p0 $0x1C02  }
0x7d: {  	[timem:s3], [sflag:s2] =	dma.local @!p0 [hbm:s0], s1  }
0x7e: {  	s0 =	simm.s32 @!p0 $0x2  }
0x7f: {  	_ =	swait.ge @!p0 [sflag:s0], s1  }
0x80: {  	s1 =	ssub.s32 @!p0 $0x0, s1;
	[sflag:s0] =	ssyncset.done @!p0 $0x0  }
0x81: {  	[sflag:s0] =	ssyncadd.s32 @!p0 s1  }
0x82: {  	[bflag:$0x3] =	sbarrier.arrive $0xFFFF  }
0x83: {  	_ =	shalt  }

</sc_bundles>
